<compile_context>
chip_gen: v7x
topology: tpu7x:2x2x1
jax: 0.10.2.dev20260603
libtpu: 0.0.44.dev20260713+nightly
codegen_flags: <defaults>
</compile_context>

<pallas_src>
import functools

import jax
import jax.numpy as jnp
from jax import lax
from jax.experimental import pallas as pl
from jax.experimental.pallas import tpu as pltpu
from jax.experimental.pallas import tpu_sc as plsc

_NC = 2
_NS = 16
_NW = _NC * _NS
_L = 16
_K = 128
_TC = 64


def _sc_mesh():
    return plsc.VectorSubcoreMesh(core_axis_name="c", subcore_axis_name="s",
                                  num_cores=_NC, num_subcores=_NS)


def _fill_zeros(ref, rows, width):
    zv = jnp.zeros((_L,), jnp.float32)

    def row(r, carry):
        for k in range(width // _L):
            ref[r, pl.ds(k * _L, _L)] = zv
        return carry

    lax.fori_loop(0, rows, row, 0)


@functools.partial(jax.jit, static_argnums=(1, 2))
def _bincount(dst2, NP, EP):
    CW = EP // _K // _NW
    RT = NP // _NS

    def body(dst_hbm, out_hbm, dst_v, ones_v, zbuf, acc):
        cid = lax.axis_index("c")
        sid = lax.axis_index("s")
        wid = sid * _NC + cid

        ov = jnp.ones((_L,), jnp.float32)

        def orow(r, carry):
            ones_v[r, pl.ds(0, _L)] = ov
            return carry

        lax.fori_loop(0, _K, orow, 0)
        _fill_zeros(zbuf, RT, _L)

        pltpu.sync_copy(dst_hbm.at[pl.ds(wid * CW, CW)], dst_v)
        pltpu.sync_copy(zbuf, acc.at[pl.ds(sid * RT, RT)])
        plsc.subcore_barrier()

        def step(j, carry):
            pltpu.sync_copy(ones_v, acc.at[dst_v.at[j]], add=True)
            return carry

        lax.fori_loop(0, CW, step, 0)
        plsc.subcore_barrier()
        pltpu.sync_copy(acc.at[pl.ds(sid * RT, RT)],
                        out_hbm.at[cid, pl.ds(sid * RT, RT)])

    f = pl.kernel(
        body,
        out_type=jax.ShapeDtypeStruct((_NC, NP, _L), jnp.float32),
        mesh=_sc_mesh(),
        compiler_params=pltpu.CompilerParams(use_tc_tiling_on_sc=False),
        scratch_types=[
            pltpu.VMEM((CW, _K), jnp.int32),
            pltpu.VMEM((_K, _L), jnp.float32),
            pltpu.VMEM((RT, _L), jnp.float32),
            pltpu.VMEM_SHARED((NP, _L), jnp.float32),
        ],
    )
    return f(dst2)


@functools.partial(jax.jit, static_argnums=(3, 4, 5, 6))
def _segsum(tables, src2, dst2, n_tables, NP, EP, SPLIT8):
    CH16 = EP // _K // _NS
    CW0 = CH16 * SPLIT8 // 8
    CW1 = CH16 - CW0
    C0T = _NS * CW0
    CW = max(CW0, CW1)
    RT = NP // _NS
    ZR = next(d for d in (32, 16, 8, RT) if RT % d == 0)

    NB = 4
    LD = 2

    def body(*refs):
        tabs = refs[:n_tables]
        src_hbm, dst_hbm, out_hbm = refs[n_tables:n_tables + 3]
        src_v, dst_v, rows_v, zbuf, acc, gsem = refs[n_tables + 3:]

        cid = lax.axis_index("c")
        sid = lax.axis_index("s")

        def gather(tab, c, b):
            return pltpu.make_async_copy(tab.at[src_v.at[c]], rows_v.at[b],
                                         gsem.at[b])

        _fill_zeros(zbuf, ZR, _TC)
        cw = jnp.where(cid == 0, CW0, CW1)

        @pl.when(cid == 0)
        def _():
            pltpu.sync_copy(src_hbm.at[pl.ds(sid * CW0, CW0)],
                            src_v.at[pl.ds(0, CW0)])
            pltpu.sync_copy(dst_hbm.at[pl.ds(sid * CW0, CW0)],
                            dst_v.at[pl.ds(0, CW0)])

        @pl.when(cid == 1)
        def _():
            pltpu.sync_copy(src_hbm.at[pl.ds(C0T + sid * CW1, CW1)],
                            src_v.at[pl.ds(0, CW1)])
            pltpu.sync_copy(dst_hbm.at[pl.ds(C0T + sid * CW1, CW1)],
                            dst_v.at[pl.ds(0, CW1)])

        for t in range(n_tables):
            tab = tabs[t]
            for c in range(LD):
                @pl.when(c < cw)
                def _(c=c):
                    gather(tab, c, c).start()
            for z in range(RT // ZR):
                pltpu.sync_copy(zbuf, acc.at[pl.ds(sid * RT + z * ZR, ZR)])
            plsc.subcore_barrier()

            @pl.loop(0, cw, step=NB)
            def _chunks(j):
                for i in range(NB):
                    jb = j + i
                    c = jb + LD
                    bg = (i + LD) % NB

                    @pl.when(c < cw)
                    def _():
                        gather(tab, c, bg).start()

                    gather(tab, jb, i).wait()
                    pltpu.sync_copy(rows_v.at[i], acc.at[dst_v.at[jb]],
                                    add=True)

            plsc.subcore_barrier()
            pltpu.sync_copy(acc.at[pl.ds(sid * RT, RT)],
                            out_hbm.at[cid, t, pl.ds(sid * RT, RT)])
            if t + 1 < n_tables:
                plsc.subcore_barrier()

    f = pl.kernel(
        body,
        out_type=jax.ShapeDtypeStruct((_NC, n_tables, NP, _TC), jnp.float32),
        mesh=_sc_mesh(),
        compiler_params=pltpu.CompilerParams(use_tc_tiling_on_sc=False),
        scratch_types=[
            pltpu.VMEM((CW, _K), jnp.int32),
            pltpu.VMEM((CW, _K), jnp.int32),
            pltpu.VMEM((NB, _K, _TC), jnp.float32),
            pltpu.VMEM((ZR, _TC), jnp.float32),
            pltpu.VMEM_SHARED((NP, _TC), jnp.float32),
            pltpu.SemaphoreType.DMA((NB,)),
        ],
    )
    return f(*tables, src2, dst2)


def _row_block(N):
    for cand in (400, 500, 250, 200, 128, 100, 80, 50, 40, 25, 20, 16, 10, 8, 5, 4, 2, 1):
        if N % cand == 0:
            return cand
    return 1


def _disg0_call(degp, x, N, BR):
    F = x.shape[1]
    NT = F // _TC

    def body(degp_ref, x_ref, dis_ref, *outs):
        p = degp_ref[...]
        deg = 1.0 + p[0, :, 0:1] + p[1, :, 0:1]
        dis = lax.rsqrt(deg)
        dis_ref[...] = dis
        g0 = x_ref[...] * dis
        for c in range(NT):
            outs[c][...] = g0[:, c * _TC:(c + 1) * _TC]

    return pl.pallas_call(
        body,
        grid=(N // BR,),
        in_specs=[
            pl.BlockSpec((_NC, BR, _L), lambda i: (0, i, 0)),
            pl.BlockSpec((BR, F), lambda i: (i, 0)),
        ],
        out_specs=[pl.BlockSpec((BR, 1), lambda i: (i, 0))]
        + [pl.BlockSpec((BR, _TC), lambda i: (i, 0))] * NT,
        out_shape=[jax.ShapeDtypeStruct((N, 1), jnp.float32)]
        + [jax.ShapeDtypeStruct((N, _TC), jnp.float32)] * NT,
    )(degp, x)


def _conv1_call(s0p, g0s, dis, W1, b1, W2, N, BR):
    NT0 = len(g0s)
    F = NT0 * _TC
    H1 = W1.shape[1]
    H2 = W2.shape[1]
    NT1 = H2 // _TC

    def body(s0p_ref, *refs):
        g0_refs = refs[:NT0]
        dis_ref, W1_ref, b1_ref, W2_ref = refs[NT0:NT0 + 4]
        outs = refs[NT0 + 4:]
        dis = dis_ref[...]
        s = jnp.concatenate(
            [s0p_ref[0, c] + s0p_ref[1, c] + g0_refs[c][...]
             for c in range(NT0)], axis=1)
        a = dis * s
        h1 = jnp.maximum(
            jnp.dot(a, W1_ref[...], preferred_element_type=jnp.float32)
            + b1_ref[...], 0.0)
        g1 = dis * jnp.dot(h1, W2_ref[...], preferred_element_type=jnp.float32)
        for c in range(NT1):
            outs[c][...] = g1[:, c * _TC:(c + 1) * _TC]

    return pl.pallas_call(
        body,
        grid=(N // BR,),
        in_specs=[pl.BlockSpec((_NC, NT0, BR, _TC), lambda i: (0, 0, i, 0))]
        + [pl.BlockSpec((BR, _TC), lambda i: (i, 0))] * NT0
        + [
            pl.BlockSpec((BR, 1), lambda i: (i, 0)),
            pl.BlockSpec((F, H1), lambda i: (0, 0)),
            pl.BlockSpec((1, H1), lambda i: (0, 0)),
            pl.BlockSpec((H1, H2), lambda i: (0, 0)),
        ],
        out_specs=[pl.BlockSpec((BR, _TC), lambda i: (i, 0))] * NT1,
        out_shape=[jax.ShapeDtypeStruct((N, _TC), jnp.float32)] * NT1,
    )(s0p, *g0s, dis, W1, b1, W2)


def _conv2_call(s1p, g1s, dis, b2, W3, N, BR):
    NT1 = len(g1s)
    H2 = NT1 * _TC
    H3 = W3.shape[1]
    NT2 = H3 // _TC

    def body(s1p_ref, *refs):
        g1_refs = refs[:NT1]
        dis_ref, b2_ref, W3_ref = refs[NT1:NT1 + 3]
        outs = refs[NT1 + 3:]
        dis = dis_ref[...]
        s = jnp.concatenate(
            [s1p_ref[0, c] + s1p_ref[1, c] + g1_refs[c][...]
             for c in range(NT1)], axis=1)
        h2 = jnp.maximum(dis * s + b2_ref[...], 0.0)
        g2 = dis * jnp.dot(h2, W3_ref[...], preferred_element_type=jnp.float32)
        for c in range(NT2):
            outs[c][...] = g2[:, c * _TC:(c + 1) * _TC]

    return pl.pallas_call(
        body,
        grid=(N // BR,),
        in_specs=[pl.BlockSpec((_NC, NT1, BR, _TC), lambda i: (0, 0, i, 0))]
        + [pl.BlockSpec((BR, _TC), lambda i: (i, 0))] * NT1
        + [
            pl.BlockSpec((BR, 1), lambda i: (i, 0)),
            pl.BlockSpec((1, H2), lambda i: (0, 0)),
            pl.BlockSpec((H2, H3), lambda i: (0, 0)),
        ],
        out_specs=[pl.BlockSpec((BR, _TC), lambda i: (i, 0))] * NT2,
        out_shape=[jax.ShapeDtypeStruct((N, _TC), jnp.float32)] * NT2,
    )(s1p, *g1s, dis, b2, W3)


def _conv3_call(s2p, g2s, dis, b3, Wfc, bfc, N, BR):
    NT2 = len(g2s)
    H3 = NT2 * _TC
    C = Wfc.shape[1]

    def body(s2p_ref, *refs):
        g2_refs = refs[:NT2]
        dis_ref, b3_ref, Wfc_ref, bfc_ref, out_ref = refs[NT2:]
        dis = dis_ref[...]
        s = jnp.concatenate(
            [s2p_ref[0, c] + s2p_ref[1, c] + g2_refs[c][...]
             for c in range(NT2)], axis=1)
        h3 = jnp.maximum(dis * s + b3_ref[...], 0.0)
        out_ref[...] = (
            jnp.dot(h3, Wfc_ref[...], preferred_element_type=jnp.float32)
            + bfc_ref[...])

    return pl.pallas_call(
        body,
        grid=(N // BR,),
        in_specs=[pl.BlockSpec((_NC, NT2, BR, _TC), lambda i: (0, 0, i, 0))]
        + [pl.BlockSpec((BR, _TC), lambda i: (i, 0))] * NT2
        + [
            pl.BlockSpec((BR, 1), lambda i: (i, 0)),
            pl.BlockSpec((1, H3), lambda i: (0, 0)),
            pl.BlockSpec((H3, C), lambda i: (0, 0)),
            pl.BlockSpec((1, C), lambda i: (0, 0)),
        ],
        out_specs=pl.BlockSpec((BR, C), lambda i: (i, 0)),
        out_shape=jax.ShapeDtypeStruct((N, C), jnp.float32),
    )(s2p, *g2s, dis, b3, Wfc, bfc)


def kernel(x, edge_index, W1, b1, W2, b2, W3, b3, Wfc, bfc):
    N, F = x.shape
    E = edge_index.shape[1]
    H2 = W2.shape[1]

    grain = _NW * _K * 8
    EP = ((E + grain - 1) // grain) * grain
    NP = ((N + 1 + 2047) // 2048) * 2048
    BR = _row_block(N)

    src = edge_index[0]
    dst = edge_index[1]
    if EP > E:
        pad = EP - E
        src = jnp.concatenate([src, jnp.zeros((pad,), jnp.int32)])
        dst = jnp.concatenate([dst, jnp.full((pad,), N, jnp.int32)])
    src2 = src.reshape(EP // _K, _K)
    dst2 = dst.reshape(EP // _K, _K)

    degp = _bincount(dst2, NP, EP)
    dis, *g0s = _disg0_call(degp, x, N, BR)

    s0p = _segsum(tuple(g0s), src2, dst2, len(g0s), NP, EP, 6)
    g1s = _conv1_call(s0p, g0s, dis, W1, b1.reshape(1, -1), W2, N, BR)

    s1p = _segsum(tuple(g1s), src2, dst2, len(g1s), NP, EP, 6)
    g2s = _conv2_call(s1p, g1s, dis, b2.reshape(1, -1), W3, N, BR)

    s2p = _segsum(tuple(g2s), src2, dst2, len(g2s), NP, EP, 6)
    out = _conv3_call(s2p, g2s, dis, b3.reshape(1, -1), Wfc,
                      bfc.reshape(1, -1), N, BR)
    return out

# --- scband reference (transcript-rebuilt; emitter-appended) ---
"""Pipeline reference for scband-three-graph-convolution-65755949302355 (READ-ONLY COPY).

The authoritative reference and input builder live on the scoring server;
editing this copy changes nothing except your own understanding.
"""

import jax, jax.numpy as jnp
import numpy as np

N = 10000
E = 320000
F = 128
H1, H2, H3 = 1024, 512, 128
C = 40


def setup_inputs(seed: int = 0) -> dict:
    key = jax.random.key(seed)
    ks = jax.random.split(key, 12)
    x = jax.random.normal(ks[0], (N, F), dtype=jnp.float32)
    edge_index = jax.random.randint(ks[1], (2, E), 0, N, dtype=jnp.int32)

    def lin(k, fan_in, fan_out):
        return jax.random.normal(k, (fan_in, fan_out), dtype=jnp.float32) * (1.0 / np.sqrt(fan_in))

    W1 = lin(ks[2], F, H1)
    b1 = jnp.zeros((H1,), dtype=jnp.float32)
    W2 = lin(ks[3], H1, H2)
    b2 = jnp.zeros((H2,), dtype=jnp.float32)
    W3 = lin(ks[4], H2, H3)
    b3 = jnp.zeros((H3,), dtype=jnp.float32)
    Wfc = lin(ks[5], H3, C)
    bfc = jnp.zeros((C,), dtype=jnp.float32)
    return {"x": x, "edge_index": edge_index, "W1": W1, "b1": b1,
            "W2": W2, "b2": b2, "W3": W3, "b3": b3, "Wfc": Wfc, "bfc": bfc}


def gcn_conv(x, src, dst, norm, W, b):
    # GCNConv: h = D^{-1/2} (A + I) D^{-1/2} (x W) + b
    h = x @ W
    msgs = h[src] * norm[:, None]
    out = jax.ops.segment_sum(msgs, dst, num_segments=N)
    return out + b


def reference(x, edge_index, W1, b1, W2, b2, W3, b3, Wfc, bfc):
    src = edge_index[0]
    dst = edge_index[1]
    # add self-loops
    loop = jnp.arange(N, dtype=src.dtype)
    src = jnp.concatenate([src, loop])
    dst = jnp.concatenate([dst, loop])
    # symmetric normalization
    deg = jnp.zeros((N,), dtype=jnp.float32).at[dst].add(1.0)
    deg_inv_sqrt = jnp.where(deg > 0, 1.0 / jnp.sqrt(deg), 0.0)
    norm = deg_inv_sqrt[src] * deg_inv_sqrt[dst]

    h = gcn_conv(x, src, dst, norm, W1, b1)
    h = jax.nn.relu(h)
    h = gcn_conv(h, src, dst, norm, W2, b2)
    h = jax.nn.relu(h)
    h = gcn_conv(h, src, dst, norm, W3, b3)
    h = jax.nn.relu(h)
    return h @ Wfc + bfc

if __name__ == "__main__":
    import jax
    _d = setup_inputs()
    print(jax.jit(kernel)(*tuple(_d.values())))

</pallas_src>

<mosaic_0001>
#map = affine_map<(d0, d1) -> (0, 0)>
#map1 = affine_map<(d0, d1) -> (0, 0, 0)>
module attributes {stable_mosaic.version = 14 : i64} {
  func.func @body(%arg0: i32, %arg1: i32, %arg2: memref<2560x128xi32, #tpu.memory_space<hbm>>, %arg3: memref<2x10240x16xf32, #tpu.memory_space<hbm>>, %arg4: memref<80x128xi32, #tpu.memory_space<vmem>>, %arg5: memref<128x16xf32, #tpu.memory_space<vmem>>, %arg6: memref<640x16xf32, #tpu.memory_space<vmem>>, %arg7: memref<10240x16xf32, #tpu.memory_space<vmem_shared>>) attributes {dimension_semantics = [#tpu.dimension_semantics<core_parallel>, #tpu.dimension_semantics<subcore_parallel>], iteration_bounds = array<i64: 2, 16>, scalar_prefetch = 0 : i64, scratch_operands = 4 : i64, tpu.core_type = #tpu.core_type<sc_vector_subcore>, window_params = [{transform_indices = #map}, {transform_indices = #map1}]} {
    %mul3A = arith.constant 2 : i32
    %mul3A_0 = arith.muli %arg1, %mul3A : i32
    %add3A = arith.addi %mul3A_0, %arg0 : i32
    %broadcast_in_dim3A = arith.constant 1.000000e+00 : f32
    %broadcast_in_dim3A_1 = vector.broadcast %broadcast_in_dim3A : f32 to vector<16xf32>
    %scan3A = arith.constant 0 : i32
    %scan3A_2 = arith.constant 0 : i32
    %scan3A_3 = arith.constant 128 : i32
    %scan3A_4 = arith.addi %scan3A_2, %scan3A_3 : i32
    %scan3A_5 = arith.constant 1 : i32
    scf.for %scan3A_30 = %scan3A_2 to %scan3A_4 step %scan3A_5  : i32 {
      %swap3A = arith.index_cast %scan3A_30 : i32 to index
      %swap3A_31 = arith.constant 0 : index
      %swap3A_32 = tpu.vector_load %arg5[%swap3A, %swap3A_31] {strides = array<i32>} : memref<128x16xf32, #tpu.memory_space<vmem>>, vector<1x16xf32>,
      %swap3A_33 = vector.shape_cast %swap3A_32 : vector<1x16xf32> to vector<16xf32>
      %swap3A_34 = vector.shape_cast %broadcast_in_dim3A_1 : vector<16xf32> to vector<1x16xf32>
      tpu.vector_store %arg5[%swap3A, %swap3A_31], %swap3A_34 {strides = array<i32>} : memref<128x16xf32, #tpu.memory_space<vmem>>, vector<1x16xf32>,
    }
    %scan3A_6 = arith.constant 128 : i32
    %broadcast_in_dim3A_7 = arith.constant 0.000000e+00 : f32
    %broadcast_in_dim3A_8 = vector.broadcast %broadcast_in_dim3A_7 : f32 to vector<16xf32>
    %scan3A_9 = arith.constant 0 : i32
    %scan3A_10 = arith.constant 0 : i32
    %scan3A_11 = arith.constant 640 : i32
    %scan3A_12 = arith.addi %scan3A_10, %scan3A_11 : i32
    %scan3A_13 = arith.constant 1 : i32
    scf.for %scan3A_30 = %scan3A_10 to %scan3A_12 step %scan3A_13  : i32 {
      %swap3A = arith.index_cast %scan3A_30 : i32 to index
      %swap3A_31 = arith.constant 0 : index
      %swap3A_32 = tpu.vector_load %arg6[%swap3A, %swap3A_31] {strides = array<i32>} : memref<640x16xf32, #tpu.memory_space<vmem>>, vector<1x16xf32>,
      %swap3A_33 = vector.shape_cast %swap3A_32 : vector<1x16xf32> to vector<16xf32>
      %swap3A_34 = vector.shape_cast %broadcast_in_dim3A_8 : vector<16xf32> to vector<1x16xf32>
      tpu.vector_store %arg6[%swap3A, %swap3A_31], %swap3A_34 {strides = array<i32>} : memref<640x16xf32, #tpu.memory_space<vmem>>, vector<1x16xf32>,
    }
    %scan3A_14 = arith.constant 640 : i32
    %mul3A_15 = arith.constant 80 : i32
    %mul3A_16 = arith.muli %add3A, %mul3A_15 : i32
    "tpu.region"() ({
      %run_scoped3A = tpu.sem_alloc : memref<!tpu.dma_semaphore, #tpu.memory_space<semaphore_mem>>
      %dma_start3A = arith.constant 0 : i32
      %dma_start3A_30 = tpu.memref_slice %arg2[%mul3A_16, %dma_start3A] : memref<2560x128xi32, #tpu.memory_space<hbm>> -> memref<80x128xi32, #tpu.memory_space<hbm>>
      %dma_start3A_31 = arith.constant 0 : i32
      %dma_start3A_32 = tpu.memref_slice %arg2[%mul3A_16, %dma_start3A_31] : memref<2560x128xi32, #tpu.memory_space<hbm>> -> memref<80x128xi32, #tpu.memory_space<hbm>>
      tpu.enqueue_dma source(%dma_start3A_32 : memref<80x128xi32, #tpu.memory_space<hbm>>) target(%arg4 : memref<80x128xi32, #tpu.memory_space<vmem>>) target_semaphore(%run_scoped3A : memref<!tpu.dma_semaphore, #tpu.memory_space<semaphore_mem>>)
      %dma_wait3A = arith.constant 0 : i32
      %dma_wait3A_33 = tpu.memref_slice %arg2[%mul3A_16, %dma_wait3A] : memref<2560x128xi32, #tpu.memory_space<hbm>> -> memref<80x128xi32, #tpu.memory_space<hbm>>
      %dma_wait3A_34 = arith.constant 0 : i32
      %dma_wait3A_35 = tpu.memref_slice %arg2[%mul3A_16, %dma_wait3A_34] : memref<2560x128xi32, #tpu.memory_space<hbm>> -> memref<80x128xi32, #tpu.memory_space<hbm>>
      tpu.wait_dma2 semaphore(%run_scoped3A : memref<!tpu.dma_semaphore, #tpu.memory_space<semaphore_mem>>) src(%dma_wait3A_35 : memref<80x128xi32, #tpu.memory_space<hbm>>) dst(%arg4 : memref<80x128xi32, #tpu.memory_space<vmem>>)
      tpu.yield
    }) : () -> ()
    %mul3A_17 = arith.constant 640 : i32
    %mul3A_18 = arith.muli %arg1, %mul3A_17 : i32
    "tpu.region"() ({
      %run_scoped3A = tpu.sem_alloc : memref<!tpu.dma_semaphore, #tpu.memory_space<semaphore_mem>>
      %dma_start3A = arith.constant 0 : i32
      %dma_start3A_30 = tpu.memref_slice %arg7[%mul3A_18, %dma_start3A] : memref<10240x16xf32, #tpu.memory_space<vmem_shared>> -> memref<640x16xf32, #tpu.memory_space<vmem_shared>>
      %dma_start3A_31 = arith.constant 0 : i32
      %dma_start3A_32 = tpu.memref_slice %arg7[%mul3A_18, %dma_start3A_31] : memref<10240x16xf32, #tpu.memory_space<vmem_shared>> -> memref<640x16xf32, #tpu.memory_space<vmem_shared>>
      tpu.enqueue_dma source(%arg6 : memref<640x16xf32, #tpu.memory_space<vmem>>) target(%dma_start3A_32 : memref<640x16xf32, #tpu.memory_space<vmem_shared>>) target_semaphore(%run_scoped3A : memref<!tpu.dma_semaphore, #tpu.memory_space<semaphore_mem>>)
      %dma_wait3A = arith.constant 0 : i32
      %dma_wait3A_33 = tpu.memref_slice %arg7[%mul3A_18, %dma_wait3A] : memref<10240x16xf32, #tpu.memory_space<vmem_shared>> -> memref<640x16xf32, #tpu.memory_space<vmem_shared>>
      %dma_wait3A_34 = arith.constant 0 : i32
      %dma_wait3A_35 = tpu.memref_slice %arg7[%mul3A_18, %dma_wait3A_34] : memref<10240x16xf32, #tpu.memory_space<vmem_shared>> -> memref<640x16xf32, #tpu.memory_space<vmem_shared>>
      tpu.wait_dma2 semaphore(%run_scoped3A : memref<!tpu.dma_semaphore, #tpu.memory_space<semaphore_mem>>) src(%arg6 : memref<640x16xf32, #tpu.memory_space<vmem>>) dst(%dma_wait3A_35 : memref<640x16xf32, #tpu.memory_space<vmem_shared>>)
      tpu.yield
    }) : () -> ()
    %barrier3A = arith.constant 0 : index
    tpu.barrier barrier_id(%barrier3A)
    %scan3A_19 = arith.constant 0 : i32
    %scan3A_20 = arith.constant 0 : i32
    %scan3A_21 = arith.constant 80 : i32
    %scan3A_22 = arith.addi %scan3A_20, %scan3A_21 : i32
    %scan3A_23 = arith.constant 1 : i32
    scf.for %scan3A_30 = %scan3A_20 to %scan3A_22 step %scan3A_23  : i32 {
      "tpu.region"() ({
        %run_scoped3A = tpu.sem_alloc : memref<!tpu.dma_semaphore, #tpu.memory_space<semaphore_mem>>
        %dma_start3A = arith.constant 0 : i32
        %dma_start3A_31 = tpu.memref_slice %arg4[%scan3A_30, %dma_start3A] : memref<80x128xi32, #tpu.memory_space<vmem>> -> memref<1x128xi32, #tpu.memory_space<vmem>>
        %dma_start3A_32 = tpu.memref_squeeze %dma_start3A_31 : memref<1x128xi32, #tpu.memory_space<vmem>> -> memref<128xi32, #tpu.memory_space<vmem>>
        %dma_start3A_33 = arith.constant 0 : i32
        %dma_start3A_34 = arith.constant 0 : i32
        %dma_start3A_35 = tpu.memref_slice %arg7[%dma_start3A_33, %dma_start3A_34] : memref<10240x16xf32, #tpu.memory_space<vmem_shared>> -> memref<10240x16xf32, #tpu.memory_space<vmem_shared>>
        tpu.enqueue_indirect_dma source(%arg5 : memref<128x16xf32, #tpu.memory_space<vmem>>) target(%dma_start3A_35 : memref<10240x16xf32, #tpu.memory_space<vmem_shared>>) offsets(%dma_start3A_32 : memref<128xi32, #tpu.memory_space<vmem>>) semaphore(%run_scoped3A : memref<!tpu.dma_semaphore, #tpu.memory_space<semaphore_mem>>) {add = true}
        %dma_wait3A = arith.constant 0 : i32
        %dma_wait3A_36 = tpu.memref_slice %arg4[%scan3A_30, %dma_wait3A] : memref<80x128xi32, #tpu.memory_space<vmem>> -> memref<1x128xi32, #tpu.memory_space<vmem>>
        %dma_wait3A_37 = tpu.memref_squeeze %dma_wait3A_36 : memref<1x128xi32, #tpu.memory_space<vmem>> -> memref<128xi32, #tpu.memory_space<vmem>>
        %dma_wait3A_38 = arith.constant 0 : i32
        %dma_wait3A_39 = arith.constant 0 : i32
        %dma_wait3A_40 = tpu.memref_slice %arg7[%dma_wait3A_38, %dma_wait3A_39] : memref<10240x16xf32, #tpu.memory_space<vmem_shared>> -> memref<10240x16xf32, #tpu.memory_space<vmem_shared>>
        tpu.wait_indirect_dma semaphore(%run_scoped3A : memref<!tpu.dma_semaphore, #tpu.memory_space<semaphore_mem>>) src(%arg5 : memref<128x16xf32, #tpu.memory_space<vmem>>) dst(%dma_wait3A_40 : memref<10240x16xf32, #tpu.memory_space<vmem_shared>>)
        tpu.yield
      }) : () -> ()
    }
    %scan3A_24 = arith.constant 80 : i32
    %barrier3A_25 = arith.constant 0 : index
    tpu.barrier barrier_id(%barrier3A_25)
    %mul3A_26 = arith.constant 640 : i32
    %mul3A_27 = arith.muli %arg1, %mul3A_26 : i32
    %mul3A_28 = arith.constant 640 : i32
    %mul3A_29 = arith.muli %arg1, %mul3A_28 : i32
    "tpu.region"() ({
      %run_scoped3A = tpu.sem_alloc : memref<!tpu.dma_semaphore, #tpu.memory_space<semaphore_mem>>
      %dma_start3A = arith.constant 0 : i32
      %dma_start3A_30 = tpu.memref_slice %arg3[%arg0, %mul3A_29, %dma_start3A] : memref<2x10240x16xf32, #tpu.memory_space<hbm>> -> memref<1x640x16xf32, #tpu.memory_space<hbm>>
      %dma_start3A_31 = tpu.memref_squeeze %dma_start3A_30 : memref<1x640x16xf32, #tpu.memory_space<hbm>> -> memref<640x16xf32, #tpu.memory_space<hbm>>
      %dma_start3A_32 = arith.constant 0 : i32
      %dma_start3A_33 = tpu.memref_slice %arg7[%mul3A_27, %dma_start3A_32] : memref<10240x16xf32, #tpu.memory_space<vmem_shared>> -> memref<640x16xf32, #tpu.memory_space<vmem_shared>>
      tpu.enqueue_dma source(%dma_start3A_33 : memref<640x16xf32, #tpu.memory_space<vmem_shared>>) target(%dma_start3A_31 : memref<640x16xf32, #tpu.memory_space<hbm>>) target_semaphore(%run_scoped3A : memref<!tpu.dma_semaphore, #tpu.memory_space<semaphore_mem>>)
      %dma_wait3A = arith.constant 0 : i32
      %dma_wait3A_34 = tpu.memref_slice %arg3[%arg0, %mul3A_29, %dma_wait3A] : memref<2x10240x16xf32, #tpu.memory_space<hbm>> -> memref<1x640x16xf32, #tpu.memory_space<hbm>>
      %dma_wait3A_35 = tpu.memref_squeeze %dma_wait3A_34 : memref<1x640x16xf32, #tpu.memory_space<hbm>> -> memref<640x16xf32, #tpu.memory_space<hbm>>
      %dma_wait3A_36 = arith.constant 0 : i32
      %dma_wait3A_37 = tpu.memref_slice %arg7[%mul3A_27, %dma_wait3A_36] : memref<10240x16xf32, #tpu.memory_space<vmem_shared>> -> memref<640x16xf32, #tpu.memory_space<vmem_shared>>
      tpu.wait_dma2 semaphore(%run_scoped3A : memref<!tpu.dma_semaphore, #tpu.memory_space<semaphore_mem>>) src(%dma_wait3A_37 : memref<640x16xf32, #tpu.memory_space<vmem_shared>>) dst(%dma_wait3A_35 : memref<640x16xf32, #tpu.memory_space<hbm>>)
      tpu.yield
    }) : () -> ()
    return
  }
}

</mosaic_0001>

<sc_bundles>
// kernel: _bincount.3.cloned.1.call-start
scs
__scs_entry_jumppad:
0x0: {  	(pc) =	sbr.rel $0x88, $3  }
0x1: {  	(tag) =	ssettag $0x0;
	lr =	simm.s32 $0x1  }
0x2: {  	[smem:$0x3FA0] =	sst lr;
	_ =	strace $0xD0000000  }
0x3: {  	_ = 	snop  }
0x4: {  	_ = 	snop  }
0x5: {  	_ = 	snop  }
0x6: {  	_ = 	snop  }
0x7: {  	_ = 	snop  }
__scs_overlays_trampoline_lowered:
0x8: {  	[smem:$0x3FAF] =	sst s0  }
0x9: {  	[smem:$0x3FB0] =	sst s1  }
0xa: {  	[smem:$0x3FB1] =	sst s2  }
0xb: {  	[smem:$0x3FB2] =	sst s3  }
0xc: {  	[smem:$0x3FB3] =	sst s4  }
0xd: {  	[smem:$0x3FB4] =	sst s5  }
0xe: {  	[smem:$0x3FB5] =	sst s6  }
0xf: {  	[smem:$0x3FB6] =	sst s7  }
0x10: {  	[smem:$0x3FB7] =	sst s8  }
0x11: {  	[smem:$0x3FB8] =	sst s9;
	s0 =	simm.s32 @!p0 $0x0  }
0x12: {  	s1 =	sld [smem:$0x3F9E];
	s0 =	simm.s32 @p0 $0x1  }
0x13: {  	[smem:$0x3FB9] =	sst s0;
	s0 =	simm.s32 @!p1 $0x0  }
0x14: {  	s2 =	sld [smem:$0x3F9D];
	s0 =	simm.s32 @p1 $0x1  }
0x15: {  	[smem:$0x3FBA] =	sst s0;
	s0 =	simm.s32 @!p2 $0x0  }
0x16: {  	s3 =	sld [smem:$0x3FDB];
	s0 =	simm.s32 @p2 $0x1  }
0x17: {  	s4 =	simm.s32 $0x1BF5;
	[smem:$0x3FBC] =	sst s0  }
0x18: {  	s0 =	sld [smem:$0x3F9F];
	_ =	swait.ge [sflag:s4], $0x0  }
0x19: {  	s7 =	sld [smem:$0x3FA0]  }
0x1a: {  	s8 =	sadd.s32 $0xFFFFE003, lr  }
0x1b: {  	s9 =	sadd.s32 $0xFFFFFEF7, lr;
	s5 =	simm.s32 $0xFFFFFFFF;
	p2 =	slt.u32 s8, $0xFFFFF086  }
0x1c: {  	p1 =	slt.u32 s9, $0xF7A;
	s5 =	simm.s32 @!p2 $0x0  }
0x1d: {  	s5 =	simm.s32 @p1 $0x1;
	p0 =	seq.s32 s7, s2  }
0x1e: {  	s7 =	smul.u32 @!p0 $0xF7A, s2;
	p2 =	seq.s32 @!p0 s5, $0x0  }
0x1f: {  	s9 =	smul.u32 $0xF7A, s1;
	s8 =	simm.s32 @!p0 $0x1BF5;
	p2 =	por !p2, p0  }
0x20: {  	[sflag:s8] =	ssyncset.s32 @!p0 $0xFFFFF086;
	s6 =	sadd.s32 @!p0 s3, s7;
	s7 =	simm.s32 @!p0 $0x108  }
0x21: {  	s3 =	sadd.s32 s3, s9;
	s6 =	sadd.s32 @!p0 $0x88, s6;
	s7 =	simm.s32 @p2 $0x1082  }
0x22: {  	[simem:s7], [sflag:s8] =	dma.local @!p0 [hbm:s6], $0xF7A  }
0x23: {  	s9 =	sor.u32 $0xD0000000, s2;
	s6 =	simm.s32 $0x108;
	_ =	swait.ge @!p0 [sflag:s8], $0x0  }
0x24: {  	s3 =	sadd.s32 $0x88, s3;
	s6 =	simm.s32 @!p1 $0x1082;
	[sflag:s4] =	ssyncset.s32 $0xFFFFF086  }
0x25: {  	[simem:s6], [sflag:s4] =	dma.local [hbm:s3], $0xF7A  }
0x26: {  	[smem:$0x3FA0] =	sst s1;
	(tag) =	ssettag s2;
	_ =	strace s9  }
0x27: {  	s1 =	sld [smem:$0x3FB0]  }
0x28: {  	s2 =	sld [smem:$0x3FB1]  }
0x29: {  	s4 =	sld [smem:$0x3FB3]  }
0x2a: {  	p0 =	seq.s32 s5, $0x0;
	s5 =	sld [smem:$0x3FB4]  }
0x2b: {  	s6 =	sld [smem:$0x3FB5]  }
0x2c: {  	s7 =	sld [smem:$0x3FB6]  }
0x2d: {  	s3 =	simm.s32 $0x108;
	s8 =	sld [smem:$0x3FB7]  }
0x2e: {  	s3 =	simm.s32 @!p0 $0x1082;
	s9 =	sld [smem:$0x3FB8]  }
0x2f: {  	lr =	sadd.s32 s0, s3;
	s0 =	sld [smem:$0x3FAF]  }
0x30: {  	s3 =	sld [smem:$0x3FB2]  }
0x31: {  	[smem:$0x3FBB] =	sst s10  }
0x32: {  	s10 =	sld [smem:$0x3FB9];
	_ =	sdelay $0x3  }
0x33: {  	p0 =	seq.s32 s10, $0x1;
	s10 =	sld [smem:$0x3FBB];
	_ =	sdelay $0x3  }
0x34: {  	[smem:$0x3FBB] =	sst s10  }
0x35: {  	s10 =	sld [smem:$0x3FBA];
	_ =	sdelay $0x3  }
0x36: {  	p1 =	seq.s32 s10, $0x1;
	s10 =	sld [smem:$0x3FBB];
	_ =	sdelay $0x3  }
0x37: {  	[smem:$0x3FBB] =	sst s10  }
0x38: {  	s10 =	sld [smem:$0x3FBC]  }
0x39: {  	_ = 	snop;
	(pc) =	sbr.ind lr, $3  }
0x3a: {  	_ = 	snop  }
0x3b: {  	_ = 	snop  }
0x3c: {  	p2 =	seq.s32 s10, $0x1;
	s10 =	sld [smem:$0x3FBB]  }
0x3d: {  	_ =	shalt  }
0x3e: {  	_ =	shalt  }
0x3f: {  	_ =	shalt  }
0x40: {  	_ =	shalt  }
0x41: {  	_ =	shalt  }
0x42: {  	_ =	shalt  }
0x43: {  	_ =	shalt  }
0x44: {  	_ =	shalt  }
0x45: {  	_ =	shalt  }
0x46: {  	_ =	shalt  }
0x47: {  	_ =	shalt  }
0x48: {  	_ =	shalt  }
0x49: {  	_ =	shalt  }
0x4a: {  	_ =	shalt  }
0x4b: {  	_ =	shalt  }
0x4c: {  	_ =	shalt  }
0x4d: {  	_ =	shalt  }
0x4e: {  	_ =	shalt  }
0x4f: {  	_ =	shalt  }
0x50: {  	_ =	shalt  }
0x51: {  	_ =	shalt  }
0x52: {  	_ =	shalt  }
0x53: {  	_ =	shalt  }
0x54: {  	_ =	shalt  }
0x55: {  	_ =	shalt  }
0x56: {  	_ =	shalt  }
0x57: {  	_ =	shalt  }
0x58: {  	_ =	shalt  }
0x59: {  	_ =	shalt  }
0x5a: {  	_ =	shalt  }
0x5b: {  	_ =	shalt  }
0x5c: {  	_ =	shalt  }
0x5d: {  	_ =	shalt  }
0x5e: {  	_ =	shalt  }
0x5f: {  	_ =	shalt  }
0x60: {  	_ =	shalt  }
0x61: {  	_ =	shalt  }
0x62: {  	_ =	shalt  }
0x63: {  	_ =	shalt  }
0x64: {  	_ =	shalt  }
0x65: {  	_ =	shalt  }
0x66: {  	_ =	shalt  }
0x67: {  	_ =	shalt  }
0x68: {  	_ =	shalt  }
0x69: {  	_ =	shalt  }
0x6a: {  	_ =	shalt  }
0x6b: {  	_ =	shalt  }
0x6c: {  	_ =	shalt  }
0x6d: {  	_ =	shalt  }
0x6e: {  	_ =	shalt  }
0x6f: {  	_ =	shalt  }
0x70: {  	_ =	shalt  }
0x71: {  	_ =	shalt  }
0x72: {  	_ =	shalt  }
0x73: {  	_ =	shalt  }
0x74: {  	_ =	shalt  }
0x75: {  	_ =	shalt  }
0x76: {  	_ =	shalt  }
0x77: {  	_ =	shalt  }
0x78: {  	_ =	shalt  }
0x79: {  	_ =	shalt  }
0x7a: {  	_ =	shalt  }
0x7b: {  	_ =	shalt  }
0x7c: {  	_ =	shalt  }
0x7d: {  	_ =	shalt  }
0x7e: {  	_ =	shalt  }
0x7f: {  	_ =	shalt  }
0x80: {  	_ =	shalt  }
0x81: {  	_ =	shalt  }
0x82: {  	_ =	shalt  }
0x83: {  	_ =	shalt  }
0x84: {  	_ =	shalt  }
0x85: {  	_ =	shalt  }
0x86: {  	_ =	shalt  }
0x87: {  	_ =	shalt  }
.Lfunc_end0:
.L_simem_size_0:
called_computation_lowered:
.L_overlay_start_0:
0x88: {  	s2 =	sld [smem:$0x3FD9]  }
0x89: {  	s3 =	sld [smem:$0x3FFE];
	_ =	sdelay $0x1  }
0x8a: {  	s1 =	srdreg.scid  }
0x8b: {  	s0 =	sand.u32 $0x1, s1  }
0x8c: {  	s18 =	sshll.u32 s0, $0xA;
	s2 =	sadd.s32 s3, s2  }
0x8d: {  	s2 =	sadd.s32 s2, s18  }
0x8e: {  	[smem:$0x3FC7] =	sst s2  }
0x8f: {  	_ = 	snop  }
0x90: {  	s2 =	sld [smem:$0x3FC9]  }
0x91: {  	s19 =	sld [smem:$0x3FD0];
	(tm) =	ssettm $0x1  }
0x92: {  	s4 =	sld [smem:$0x3FFB];
	_ =	sdelay $0x3  }
0x93: {  	_ =	strace s4  }
0x94: {  	s4 =	sld [smem:$0x3FFC];
	_ =	sdelay $0x3  }
0x95: {  	_ =	strace s4  }
0x96: {  	s4 =	sld [smem:$0x3FFD];
	_ =	sdelay $0x3  }
0x97: {  	_ =	strace s4  }
0x98: {  	_ =	strace $0x8FFFFFFF  }
0x99: {  	s20 =	sld [smem:$0x3FDB];
	_ =	sdelay $0x1  }
0x9a: {  	s5 =	simm.s32 $_scs_section_size  }
0x9b: {  	s6 =	simm.s32 $_size__tile_overlayer_lowered;
	s7 =	simm.s32 $_tile_overlayer_lowered  }
0x9c: {  	s23 =	simm.s32 $0x1BFF;
	s22 =	sshll.u32 s7, $0x1;
	s4 =	sadd.s32 s5, s20  }
0x9d: {  	s8 =	simm.s32 $0x0;
	s21 =	sshll.u32 s6, $0x1;
	s6 =	sadd.s32 s22, s4  }
0x9e: {  	[timem:s8], [sflag:s23] =	dma.local [hbm:s6], s21  }
0x9f: {  	_ =	swait.ge [sflag:s23], s21  }
0xa0: {  	s5 =	ssub.s32 $0x0, s21;
	[sflag:s23] =	ssyncset.done $0x0  }
0xa1: {  	[sflag:s23] =	ssyncadd.s32 s5;
	_ =	sdelay $0x1  }
0xa2: {  	s24 =	simm.s32 $0x1B8B  }
0xa3: {  	_ =	swait.ge [sflag:s24], $0x1  }
0xa4: {  	[sflag:s24] =	ssyncset.done $0x0  }
0xa5: {  	s25 =	simm.s32 $0x1B8E;
	[sflag:s24] =	ssyncadd.s32 $0xFFFFFFFF  }
0xa6: {  	s26 =	simm.s32 $execute0_lowered;
	[smem:$0x3FD2] =	sst s25  }
0xa7: {  	s5 =	sshll.u32 s26, $0x1;
	_ =	strace $0x80000046;
	[dreg:$0x1] =	wrdreg $0xFFFFFFFF  }
0xa8: {  	s28 =	simm.s32 $_size_execute0_lowered;
	s4 =	sadd.s32 s4, s5;
	[dreg:$0x0] =	wrdreg $0x0  }
0xa9: {  	s5 =	sshll.u32 s28, $0x1;
	[dreg:$0x2] =	wrdreg s4  }
0xaa: {  	[dreg:$0x3] =	wrdreg s5  }
0xab: {  	[dreg:$0x4] =	wrdreg $0xC0  }
0xac: {  	_ =	task [dreg:s8], $0x5FFFF  }
0xad: {  	[dreg:$0x1] =	wrdreg $0xFFFFFFFF  }
0xae: {  	[dreg:$0x0] =	wrdreg $0x60  }
0xaf: {  	[dreg:$0x2] =	wrdreg s2  }
0xb0: {  	[dreg:$0x3] =	wrdreg s19  }
0xb1: {  	[dreg:$0x4] =	wrdreg $0x58000  }
0xb2: {  	[dreg:$0x5] =	wrdreg $0x9  }
0xb3: {  	_ =	task.clear_ibuf [dreg:s8], $0x6FFFF;
	_ =	strace $0x90000046  }
0xb4: {  	s29 =	simm.s32 $0x9;
	_ =	strace $0x80000048  }
0xb5: {  	_ =	swait.ge [sflag:s29], $0x1  }
0xb6: {  	[sflag:s29] =	ssyncadd.s32 $0xFFFFFFFF  }
0xb7: {  	_ =	strace $0x90000048  }
0xb8: {  	_ =	sfence  }
0xb9: {  	s30 =	sld [smem:$0x0];
	_ =	sdelay $0x2  }
0xba: {  	s31 =	sshll.u32 s1, $0xD;
	s1 =	sshrl.u32 s1, $0x2  }
0xbb: {  	s3 =	sand.u32 $0x4000, s31;
	s1 =	sadd.s32 s1, s30  }
0xbc: {  	s0 =	sor.u32 s3, s0;
	s1 =	sshll.u32 s1, $0x11  }
0xbd: {  	s0 =	sor.u32 s1, s0  }
0xbe: {  	s0 =	sadd.s32 $0x8F2B, s0  }
0xbf: {  	[sflag:s0] =	ssyncadd.remote.s32 $0x1  }
0xc0: {  	_ =	sfence.sel $0xFFFF  }
0xc1: {  	[dreg:$0x0] =	wrdreg $0xFFFFFFFF;
	(pc) =	sbr.abs _section_cstart, $3  }
0xc2: {  	[dreg:$0x1] =	wrdreg $0xFFFFFFFF  }
0xc3: {  	_ =	task.clear_ibuf [dreg:s8], $0x2FFFF;
	_ =	strace $0x9FFFFFFF  }
0xc4: {  	(tm) =	ssettm $0x7FFFFFFF  }
0xc5: {  	_ =	shalt  }
tec
execute0_lowered:
.L_overlay_start_1:
0x0: {  	(tag) =	ssettag $0x1  }
0x1: {  	s4 =	rddreg [dreg:$0x0]  }
0x2: {  	s6 =	rddreg [dreg:$0x1]  }
0x3: {  	s2 =	rddreg [dreg:$0x2]  }
0x4: {  	s0 =	rddreg [dreg:$0x3]  }
0x5: {  	s3 =	simm.s32 $0x0;
	s5 =	srdreg.scid;
	s1 =	stileid.u32  }
0x6: {  	s11 =	simm.s32 $0x2800;
	s5 =	sand.u32 $0x1, s5;
	s7 =	sshll.u32 s1, $0x1  }
0x7: {  	s8 =	smul.u32 $0x2800, s1;
	[smem:$0x7FF] =	sst s3;
	s12 =	sshll.u32 s1, $0x6  }
0x8: {  	s9 =	ssub.s32 $0x2, s5;
	s7 =	sor.u32 s5, s7;
	s5 =	smul.u32 $0x28000, s5  }
0x9: {  	_ =	strace $0x80000047;
	s12 =	sor.u32 $0x1C01, s12;
	s10 =	sshrl.u32 s9, $0x1  }
0xa: {  	s7 =	smul.u32 $0x500, s7;
	s9 =	ssub.s32 s9, s10;
	s30 =	sadd.s32 s8, s5  }
0xb: {  	s5 =	sadd.s32 s8, s2;
	s8 =	simm.s32 $0x1;
	s10 =	simm.s32 $0x80  }
0xc: {  	s4 =	sadd.s32 s4, s7;
	s31 =	sshrl.u32 s30, $0x3;
	s7 =	smax.u32 s9, $0x1  }
0xd: {  	v0 =	vimm.f32 $1.000000000e+00;
	v1 =	vimm.f32 $0.0e+00;
	s9 =	simm.s32 $0x3000;
	s13 =	sshrl.u32 s5, $0x3;
	s6 =	sadd.s32 s6, s31  }
.LBB2_1:
0xe: {  	s14 =	simm.s32 $0x0  }
.LBB2_2:
0xf: {  	p0 =	sne.s32 s14, $0x1FC0  }
.Ltmp0:
0x10: {  	_ = 	snop;
	(pc) =	sbr.rel @p0 .LBB2_2-.Ltmp0, $3  }
0x11: {  	_ =	sdelay $0x1  }
0x12: {  	s15 =	sshra.s32 s14, $0x2  }
0x13: {  	s14 =	sadd.s32 $0x40, s14;
	[tilespmem:s15+$0x2800] =	vst v0  }
0x14: {  	s14 =	simm.s32 $0x40;
	s15 =	simm.s32 $0x0  }
.LBB2_4:
0x15: {  	p0 =	sne.s32 s14, $0x9FC0;
	[tilespmem:s15+$0x3000] =	vst v1;
	s15 =	smov.u32 s14;
	s14 =	sadd.s32 $0x40, s14  }
.Ltmp1:
0x16: {  	(pc) =	sbr.rel @p0 .LBB2_4-.Ltmp1, $2  }
0x17: {  	_ =	sdelay $0x2  }
0x18: {  	s15 =	sshra.s32 s15, $0x2  }
0x19: {  	[tilespmem:s15+$0x3000] =	vst v1;
	s14 =	simm.s32 $0x0  }
0x1a: {  	[tilespmem:s14], [sflag:$0x1] =	stream.linear.gather [hbm4b:s4+s14], $0x2800, $0x38;
	[tilespmem:$0x8000] =	vst v63  }
0x1b: {  	_ =	swait.ge [sflag:s8], $0x2800  }
0x1c: {  	[sflag:s8] =	ssyncset.done $0x0  }
0x1d: {  	[sflag:s8] =	ssyncadd.s32 $0xFFFFD800  }
0x1e: {  	[spmem:s5] =	stream.linear.scatter [tilespmem:s9], [sflag:$0x1], $0x2800, $0x38;
	[tilespmem:$0x8000] =	vst v63  }
0x1f: {  	_ =	swait.ge [sflag:s8], $0x2800  }
0x20: {  	[sflag:s8] =	ssyncset.done $0x0  }
0x21: {  	[sflag:s8] =	ssyncadd.s32 $0xFFFFD800  }
0x22: {  	s31 =	simm.s32 $0x0;
	[bflag:$0x0] =	sbarrier.arrive $0xFFFF  }
0x23: {  	[spmem:s2] =	stream.indirect.scatter.add.f32 [tilespmem:s11], [sflag:$0x1], $0x10, s31, s10, $0xb8;
	[tilespmem:$0x8000] =	vst v63  }
0x24: {  	_ =	swait.ge [sflag:s8], $0x800  }
0x25: {  	s14 =	simm.s32 $0x200;
	[sflag:s8] =	ssyncset.done $0x0  }
.LBB2_6:
0x26: {  	s15 =	sshra.s32 s14, $0x2;
	[sflag:s8] =	ssyncadd.s32 $0xFFFFF800;
	p0 =	sne.s32 s14, $0x9E00  }
0x27: {  	[spmem:s2] =	stream.indirect.scatter.add.f32 [tilespmem:s11], [sflag:$0x1], $0x10, s15, s10, $0xb8;
	[tilespmem:$0x8000] =	vst v63  }
.Ltmp2:
0x28: {  	_ = 	snop;
	(pc) =	sbr.rel @p0 .LBB2_6-.Ltmp2, $4  }
0x29: {  	_ = 	snop  }
0x2a: {  	s14 =	sadd.s32 $0x200, s14  }
0x2b: {  	_ =	swait.ge [sflag:s8], $0x800  }
0x2c: {  	[sflag:s8] =	ssyncset.done $0x0  }
0x2d: {  	s3 =	sadd.s32 $0x1, s3  }
0x2e: {  	[sflag:s8] =	ssyncadd.s32 $0xFFFFF800;
	p0 =	sne.s32 s3, s7  }
.Ltmp3:
0x2f: {  	[bflag:$0x0] =	sbarrier.arrive $0xFFFF;
	(pc) =	sbr.rel @p0 .LBB2_1-.Ltmp3, $4  }
0x30: {  	[hbm:s6], [sflag:s12] =	dma.local [spmem:s13], $0x500  }
0x31: {  	_ =	swait.ge [sflag:s8], $0x500  }
0x32: {  	[sflag:s8] =	ssyncset.done $0x0  }
0x33: {  	[sflag:s8] =	ssyncadd.s32 $0xFFFFFB00  }
0x34: {  	_ =	sfence.sel $0x180000  }
0x35: {  	[bflag:$0x0] =	sbarrier.arrive $0xFFFF  }
0x36: {  	p0 =	sne.s32 s1, $0x0;
	_ =	strace $0x90000047  }
0x37: {  	s0 =	sadd.s32 @!p0 $0x100000, s0;
	[bflag:$0x2] =	sbarrier.arrive $0xFFFF  }
0x38: {  	[sflag:s0] =	ssyncadd.tile.s32 @!p0 $0x1;
	_ =	shalt  }
.Lfunc_end2:
_tile_overlayer_lowered:
.L_overlay_start_2:
0x39: {  	(tag) =	ssettag $0x2  }
0x3a: {  	s0 =	rddreg [dreg:$0x0];
	s2 =	stileid.u32  }
0x3b: {  	s1 =	rddreg [dreg:$0x1];
	p0 =	sne.s32 s2, $0x0  }
0x3c: {  	s3 =	rddreg [dreg:$0x2];
	[bflag:$0x3] =	sbarrier.arrive $0xFFFF;
	s2 =	simm.s32 @!p0 $0x1C01  }
0x3d: {  	[timem:s3], [sflag:s2] =	dma.local @!p0 [hbm:s0], s1  }
0x3e: {  	s0 =	simm.s32 @!p0 $0x1  }
0x3f: {  	_ =	swait.ge @!p0 [sflag:s0], s1  }
0x40: {  	s1 =	ssub.s32 @!p0 $0x0, s1;
	[sflag:s0] =	ssyncset.done @!p0 $0x0  }
0x41: {  	[sflag:s0] =	ssyncadd.s32 @!p0 s1  }
0x42: {  	[bflag:$0x3] =	sbarrier.arrive $0xFFFF  }
0x43: {  	_ =	shalt  }

</sc_bundles>
